<compile_context>
chip_gen: v7x
topology: tpu7x:2x2x1
jax: 0.10.2.dev20260603
libtpu: 0.0.44.dev20260713+nightly
codegen_flags: <defaults>
</compile_context>

<pallas_src>
import functools

import jax
import jax.numpy as jnp
from jax import lax
from jax.experimental import pallas as pl
from jax.experimental.pallas import tpu as pltpu
from jax.experimental.pallas import tpu_sc as plsc

_N = 10000
_NP = 10240
_E = 320000
_D = 128

_TILES = 16
_HE = _E // 2
_WA = 9984
_WL = _HE - 15 * _WA
_CHUNK = _NP // _TILES
_L = 16

_UNROLL_Z = 10
_UNROLL_S = 8


def _sc_mask_body(ei_hbm, mask_hbm, idx2_v, mask_v, red_v, blk_v, shared, sem):
    c = lax.axis_index("c")
    s = lax.axis_index("s")
    col0 = c * _HE + s * _WA
    cp = pltpu.async_copy(ei_hbm.at[:, pl.ds(col0, _WL)], idx2_v, sem)

    zeros = jnp.zeros((_L,), jnp.float32)
    ones = jnp.ones((_L,), jnp.float32)

    def zero_body(i, carry):
        for u in range(_UNROLL_Z):
            mask_v[pl.ds((i * _UNROLL_Z + u) * _L, _L)] = zeros
        return carry

    lax.fori_loop(0, _NP // (_L * _UNROLL_Z), zero_body, 0)
    cp.wait()

    def scat_body(i, carry):
        for u in range(_UNROLL_S):
            idx = idx2_v[1, pl.ds((i * _UNROLL_S + u) * _L, _L)]
            plsc.store_scatter(mask_v, [idx], ones)
        return carry

    lax.fori_loop(0, _WL // (_L * _UNROLL_S), scat_body, 0)

    pltpu.sync_copy(mask_v, shared.at[s])
    plsc.subcore_barrier()

    pltpu.sync_copy(shared.at[:, pl.ds(s * _CHUNK, _CHUNK)], blk_v)

    def red_body(j, carry):
        acc = blk_v[0, pl.ds(j * _L, _L)]
        for t in range(1, _TILES):
            acc = acc + blk_v[t, pl.ds(j * _L, _L)]
        red_v[pl.ds(j * _L, _L)] = jnp.where(acc > 0.0, ones, zeros)
        return carry

    lax.fori_loop(0, _CHUNK // _L, red_body, 0)

    pltpu.sync_copy(red_v, mask_hbm.at[pl.ds(c * _NP + s * _CHUNK, _CHUNK)])


def _sc_mask(edge_index):
    kern = functools.partial(
        pl.kernel,
        out_type=jax.ShapeDtypeStruct((2 * _NP,), jnp.float32),
        mesh=plsc.VectorSubcoreMesh(core_axis_name="c", subcore_axis_name="s"),
        compiler_params=pltpu.CompilerParams(needs_layout_passes=False),
        scratch_types=[
            pltpu.VMEM((2, _WL), jnp.int32),
            pltpu.VMEM((_NP,), jnp.float32),
            pltpu.VMEM((_CHUNK,), jnp.float32),
            pltpu.VMEM((_TILES, _CHUNK), jnp.float32),
            pltpu.VMEM_SHARED((_TILES, _NP), jnp.float32),
            pltpu.SemaphoreType.DMA,
        ],
    )(_sc_mask_body)
    return kern(edge_index)


def _tc_body(x_ref, wv_ref, bv_ref, wo_ref, bo_ref, m_ref, o_ref):
    t = jnp.dot(x_ref[...], wv_ref[...], preferred_element_type=jnp.float32)
    t = (t + bv_ref[...]) * m_ref[...]
    o_ref[...] = (
        jnp.dot(t, wo_ref[...], preferred_element_type=jnp.float32) + bo_ref[...]
    )


_BLK = 5000


def _tc_epilogue(x, Wv, bv2, Wo, bo2, mask2):
    return pl.pallas_call(
        _tc_body,
        grid=(_N // _BLK,),
        in_specs=[
            pl.BlockSpec((_BLK, _D), lambda i: (i, 0)),
            pl.BlockSpec((_D, _D), lambda i: (0, 0)),
            pl.BlockSpec((1, _D), lambda i: (0, 0)),
            pl.BlockSpec((_D, _D), lambda i: (0, 0)),
            pl.BlockSpec((1, _D), lambda i: (0, 0)),
            pl.BlockSpec((_BLK, 1), lambda i: (i, 0)),
        ],
        out_specs=pl.BlockSpec((_BLK, _D), lambda i: (i, 0)),
        out_shape=jax.ShapeDtypeStruct((_N, _D), jnp.float32),
    )(x, Wv, bv2, Wo, bo2, mask2)


def kernel(x, edge_attr, edge_index, Wq, bq, Wk, bk, Wv, bv, Wb, bb, Wo, bo):
    mask_p = _sc_mask(edge_index)
    mask2 = jnp.maximum(mask_p[:_N], mask_p[_NP:_NP + _N]).reshape(_N, 1)
    bv2 = bv.reshape(1, _D)
    bo2 = bo.reshape(1, _D)
    return _tc_epilogue(x, Wv, bv2, Wo, bo2, mask2)

# --- scband reference (transcript-rebuilt; emitter-appended) ---
"""Pipeline reference for scband-multiheaded-self-attention-layer-1760936591673 (READ-ONLY COPY).

The authoritative reference and input builder live on the scoring server;
editing this copy changes nothing except your own understanding.
"""

import jax, jax.numpy as jnp
import numpy as np

N = 10000
E = 320000
D = 128      # node_dim = embed_dim = output_dim
DE = 16      # edge_dim
H = 8        # num_heads
HD = D // H  # head_dim = 16


def setup_inputs(seed: int = 0) -> dict:
    key = jax.random.key(seed)
    ks = jax.random.split(key, 12)
    s = 1.0 / np.sqrt(D)
    se = 1.0 / np.sqrt(DE)
    return {
        "x": jax.random.normal(ks[0], (N, D), dtype=jnp.float32),
        "edge_attr": jax.random.normal(ks[1], (E, DE), dtype=jnp.float32),
        "edge_index": jax.random.randint(ks[2], (2, E), 0, N, dtype=jnp.int32),
        "Wq": jax.random.normal(ks[3], (D, D), dtype=jnp.float32) * s,
        "bq": jnp.zeros((D,), dtype=jnp.float32),
        "Wk": jax.random.normal(ks[4], (D, D), dtype=jnp.float32) * s,
        "bk": jnp.zeros((D,), dtype=jnp.float32),
        "Wv": jax.random.normal(ks[5], (D, D), dtype=jnp.float32) * s,
        "bv": jnp.zeros((D,), dtype=jnp.float32),
        "Wb": jax.random.normal(ks[6], (DE, 1), dtype=jnp.float32) * se,
        "bb": jnp.zeros((1,), dtype=jnp.float32),
        "Wo": jax.random.normal(ks[7], (D, D), dtype=jnp.float32) * s,
        "bo": jnp.zeros((D,), dtype=jnp.float32),
    }


def scatter_softmax(scores, seg_ids, num_segments):
    # per-destination-node softmax over incoming edges, per head
    seg_max = jax.ops.segment_max(scores, seg_ids, num_segments=num_segments)
    seg_max = jnp.where(jnp.isfinite(seg_max), seg_max, 0.0)
    ex = jnp.exp(scores - seg_max[seg_ids])
    denom = jax.ops.segment_sum(ex, seg_ids, num_segments=num_segments)
    return ex / denom[seg_ids]


def reference(x, edge_attr, edge_index, Wq, bq, Wk, bk, Wv, bv, Wb, bb, Wo, bo):
    src = edge_index[0]
    dest = edge_index[1]
    e = src.shape[0]
    n = x.shape[0]
    Q = (x[src] @ Wq + bq).reshape(e, H, HD)
    K = (x[dest] @ Wk + bk).reshape(e, H, HD)
    V = (x[dest] @ Wv + bv).reshape(e, H, HD)
    bias = edge_attr @ Wb + bb                      # [E, 1], broadcast over heads
    sqrt_dk = HD ** 1 / 2                            # faithful to module's head_dim ** 1 / 2
    scores = jnp.einsum('ehd,ehd->eh', Q, K) / sqrt_dk + bias
    alpha = scatter_softmax(scores, dest, n)[..., None]  # [E, H, 1]
    Hagg = jax.ops.segment_sum(alpha * V, dest, num_segments=n)  # [N, H, HD]
    O = Hagg.reshape(n, H * HD) @ Wo + bo
    return O

if __name__ == "__main__":
    import jax
    _d = setup_inputs()
    print(jax.jit(kernel)(*tuple(_d.values())))

</pallas_src>

<mosaic_0001>
#map = affine_map<(d0, d1) -> (0, 0)>
#map1 = affine_map<(d0, d1) -> (0)>
module attributes {stable_mosaic.version = 14 : i64} {
  func.func @_sc_mask_body(%arg0: i32, %arg1: i32, %arg2: memref<2x320000xi32, #tpu.memory_space<hbm>>, %arg3: memref<20480xf32, #tpu.memory_space<hbm>>, %arg4: memref<2x10240xi32, #tpu.memory_space<vmem>>, %arg5: memref<10240xf32, #tpu.memory_space<vmem>>, %arg6: memref<640xf32, #tpu.memory_space<vmem>>, %arg7: memref<16x640xf32, #tpu.memory_space<vmem>>, %arg8: memref<16x10240xf32, #tpu.memory_space<vmem_shared>>, %arg9: memref<!tpu.dma_semaphore, #tpu.memory_space<semaphore_mem>>) attributes {dimension_semantics = [#tpu.dimension_semantics<core_parallel>, #tpu.dimension_semantics<subcore_parallel>], iteration_bounds = array<i64: 2, 16>, scalar_prefetch = 0 : i64, scratch_operands = 6 : i64, tpu.core_type = #tpu.core_type<sc_vector_subcore>, window_params = [{transform_indices = #map}, {transform_indices = #map1}]} {
    %mul3A = arith.constant 160000 : i32
    %mul3A_0 = arith.muli %arg0, %mul3A : i32
    %mul3A_1 = arith.constant 9984 : i32
    %mul3A_2 = arith.muli %arg1, %mul3A_1 : i32
    %add3A = arith.addi %mul3A_0, %mul3A_2 : i32
    %dma_start3A = arith.constant 0 : i32
    %dma_start3A_3 = tpu.memref_slice %arg2[%dma_start3A, %add3A] : memref<2x320000xi32, #tpu.memory_space<hbm>> -> memref<2x10240xi32, #tpu.memory_space<hbm>>
    %dma_start3A_4 = arith.constant 0 : i32
    %dma_start3A_5 = tpu.memref_slice %arg2[%dma_start3A_4, %add3A] : memref<2x320000xi32, #tpu.memory_space<hbm>> -> memref<2x10240xi32, #tpu.memory_space<hbm>>
    tpu.enqueue_dma source(%dma_start3A_5 : memref<2x10240xi32, #tpu.memory_space<hbm>>) target(%arg4 : memref<2x10240xi32, #tpu.memory_space<vmem>>) target_semaphore(%arg9 : memref<!tpu.dma_semaphore, #tpu.memory_space<semaphore_mem>>)
    %broadcast_in_dim3A = arith.constant 0.000000e+00 : f32
    %broadcast_in_dim3A_6 = vector.broadcast %broadcast_in_dim3A : f32 to vector<16xf32>
    %broadcast_in_dim3A_7 = arith.constant 1.000000e+00 : f32
    %broadcast_in_dim3A_8 = vector.broadcast %broadcast_in_dim3A_7 : f32 to vector<16xf32>
    %scan3A = arith.constant 0 : i32
    %scan3A_9 = arith.constant 0 : i32
    %scan3A_10 = arith.constant 64 : i32
    %scan3A_11 = arith.addi %scan3A_9, %scan3A_10 : i32
    %scan3A_12 = arith.constant 1 : i32
    scf.for %scan3A_36 = %scan3A_9 to %scan3A_11 step %scan3A_12  : i32 {
      %mul3A_37 = arith.constant 10 : i32
      %mul3A_38 = arith.muli %scan3A_36, %mul3A_37 : i32
      %add3A_39 = arith.constant 0 : i32
      %add3A_40 = arith.addi %mul3A_38, %add3A_39 : i32
      %mul3A_41 = arith.constant 16 : i32
      %mul3A_42 = arith.muli %add3A_40, %mul3A_41 : i32
      %swap3A = arith.index_cast %mul3A_42 : i32 to index
      %swap3A_43 = tpu.vector_load %arg5[%swap3A] {strides = array<i32>} : memref<10240xf32, #tpu.memory_space<vmem>>, vector<16xf32>,
      tpu.vector_store %arg5[%swap3A], %broadcast_in_dim3A_6 {strides = array<i32>} : memref<10240xf32, #tpu.memory_space<vmem>>, vector<16xf32>,
      %mul3A_44 = arith.constant 10 : i32
      %mul3A_45 = arith.muli %scan3A_36, %mul3A_44 : i32
      %add3A_46 = arith.constant 1 : i32
      %add3A_47 = arith.addi %mul3A_45, %add3A_46 : i32
      %mul3A_48 = arith.constant 16 : i32
      %mul3A_49 = arith.muli %add3A_47, %mul3A_48 : i32
      %swap3A_50 = arith.index_cast %mul3A_49 : i32 to index
      %swap3A_51 = tpu.vector_load %arg5[%swap3A_50] {strides = array<i32>} : memref<10240xf32, #tpu.memory_space<vmem>>, vector<16xf32>,
      tpu.vector_store %arg5[%swap3A_50], %broadcast_in_dim3A_6 {strides = array<i32>} : memref<10240xf32, #tpu.memory_space<vmem>>, vector<16xf32>,
      %mul3A_52 = arith.constant 10 : i32
      %mul3A_53 = arith.muli %scan3A_36, %mul3A_52 : i32
      %add3A_54 = arith.constant 2 : i32
      %add3A_55 = arith.addi %mul3A_53, %add3A_54 : i32
      %mul3A_56 = arith.constant 16 : i32
      %mul3A_57 = arith.muli %add3A_55, %mul3A_56 : i32
      %swap3A_58 = arith.index_cast %mul3A_57 : i32 to index
      %swap3A_59 = tpu.vector_load %arg5[%swap3A_58] {strides = array<i32>} : memref<10240xf32, #tpu.memory_space<vmem>>, vector<16xf32>,
      tpu.vector_store %arg5[%swap3A_58], %broadcast_in_dim3A_6 {strides = array<i32>} : memref<10240xf32, #tpu.memory_space<vmem>>, vector<16xf32>,
      %mul3A_60 = arith.constant 10 : i32
      %mul3A_61 = arith.muli %scan3A_36, %mul3A_60 : i32
      %add3A_62 = arith.constant 3 : i32
      %add3A_63 = arith.addi %mul3A_61, %add3A_62 : i32
      %mul3A_64 = arith.constant 16 : i32
      %mul3A_65 = arith.muli %add3A_63, %mul3A_64 : i32
      %swap3A_66 = arith.index_cast %mul3A_65 : i32 to index
      %swap3A_67 = tpu.vector_load %arg5[%swap3A_66] {strides = array<i32>} : memref<10240xf32, #tpu.memory_space<vmem>>, vector<16xf32>,
      tpu.vector_store %arg5[%swap3A_66], %broadcast_in_dim3A_6 {strides = array<i32>} : memref<10240xf32, #tpu.memory_space<vmem>>, vector<16xf32>,
      %mul3A_68 = arith.constant 10 : i32
      %mul3A_69 = arith.muli %scan3A_36, %mul3A_68 : i32
      %add3A_70 = arith.constant 4 : i32
      %add3A_71 = arith.addi %mul3A_69, %add3A_70 : i32
      %mul3A_72 = arith.constant 16 : i32
      %mul3A_73 = arith.muli %add3A_71, %mul3A_72 : i32
      %swap3A_74 = arith.index_cast %mul3A_73 : i32 to index
      %swap3A_75 = tpu.vector_load %arg5[%swap3A_74] {strides = array<i32>} : memref<10240xf32, #tpu.memory_space<vmem>>, vector<16xf32>,
      tpu.vector_store %arg5[%swap3A_74], %broadcast_in_dim3A_6 {strides = array<i32>} : memref<10240xf32, #tpu.memory_space<vmem>>, vector<16xf32>,
      %mul3A_76 = arith.constant 10 : i32
      %mul3A_77 = arith.muli %scan3A_36, %mul3A_76 : i32
      %add3A_78 = arith.constant 5 : i32
      %add3A_79 = arith.addi %mul3A_77, %add3A_78 : i32
      %mul3A_80 = arith.constant 16 : i32
      %mul3A_81 = arith.muli %add3A_79, %mul3A_80 : i32
      %swap3A_82 = arith.index_cast %mul3A_81 : i32 to index
      %swap3A_83 = tpu.vector_load %arg5[%swap3A_82] {strides = array<i32>} : memref<10240xf32, #tpu.memory_space<vmem>>, vector<16xf32>,
      tpu.vector_store %arg5[%swap3A_82], %broadcast_in_dim3A_6 {strides = array<i32>} : memref<10240xf32, #tpu.memory_space<vmem>>, vector<16xf32>,
      %mul3A_84 = arith.constant 10 : i32
      %mul3A_85 = arith.muli %scan3A_36, %mul3A_84 : i32
      %add3A_86 = arith.constant 6 : i32
      %add3A_87 = arith.addi %mul3A_85, %add3A_86 : i32
      %mul3A_88 = arith.constant 16 : i32
      %mul3A_89 = arith.muli %add3A_87, %mul3A_88 : i32
      %swap3A_90 = arith.index_cast %mul3A_89 : i32 to index
      %swap3A_91 = tpu.vector_load %arg5[%swap3A_90] {strides = array<i32>} : memref<10240xf32, #tpu.memory_space<vmem>>, vector<16xf32>,
      tpu.vector_store %arg5[%swap3A_90], %broadcast_in_dim3A_6 {strides = array<i32>} : memref<10240xf32, #tpu.memory_space<vmem>>, vector<16xf32>,
      %mul3A_92 = arith.constant 10 : i32
      %mul3A_93 = arith.muli %scan3A_36, %mul3A_92 : i32
      %add3A_94 = arith.constant 7 : i32
      %add3A_95 = arith.addi %mul3A_93, %add3A_94 : i32
      %mul3A_96 = arith.constant 16 : i32
      %mul3A_97 = arith.muli %add3A_95, %mul3A_96 : i32
      %swap3A_98 = arith.index_cast %mul3A_97 : i32 to index
      %swap3A_99 = tpu.vector_load %arg5[%swap3A_98] {strides = array<i32>} : memref<10240xf32, #tpu.memory_space<vmem>>, vector<16xf32>,
      tpu.vector_store %arg5[%swap3A_98], %broadcast_in_dim3A_6 {strides = array<i32>} : memref<10240xf32, #tpu.memory_space<vmem>>, vector<16xf32>,
      %mul3A_100 = arith.constant 10 : i32
      %mul3A_101 = arith.muli %scan3A_36, %mul3A_100 : i32
      %add3A_102 = arith.constant 8 : i32
      %add3A_103 = arith.addi %mul3A_101, %add3A_102 : i32
      %mul3A_104 = arith.constant 16 : i32
      %mul3A_105 = arith.muli %add3A_103, %mul3A_104 : i32
      %swap3A_106 = arith.index_cast %mul3A_105 : i32 to index
      %swap3A_107 = tpu.vector_load %arg5[%swap3A_106] {strides = array<i32>} : memref<10240xf32, #tpu.memory_space<vmem>>, vector<16xf32>,
      tpu.vector_store %arg5[%swap3A_106], %broadcast_in_dim3A_6 {strides = array<i32>} : memref<10240xf32, #tpu.memory_space<vmem>>, vector<16xf32>,
      %mul3A_108 = arith.constant 10 : i32
      %mul3A_109 = arith.muli %scan3A_36, %mul3A_108 : i32
      %add3A_110 = arith.constant 9 : i32
      %add3A_111 = arith.addi %mul3A_109, %add3A_110 : i32
      %mul3A_112 = arith.constant 16 : i32
      %mul3A_113 = arith.muli %add3A_111, %mul3A_112 : i32
      %swap3A_114 = arith.index_cast %mul3A_113 : i32 to index
      %swap3A_115 = tpu.vector_load %arg5[%swap3A_114] {strides = array<i32>} : memref<10240xf32, #tpu.memory_space<vmem>>, vector<16xf32>,
      tpu.vector_store %arg5[%swap3A_114], %broadcast_in_dim3A_6 {strides = array<i32>} : memref<10240xf32, #tpu.memory_space<vmem>>, vector<16xf32>,
    }
    %scan3A_13 = arith.constant 64 : i32
    %dma_wait3A = arith.constant 0 : i32
    %dma_wait3A_14 = tpu.memref_slice %arg2[%dma_wait3A, %add3A] : memref<2x320000xi32, #tpu.memory_space<hbm>> -> memref<2x10240xi32, #tpu.memory_space<hbm>>
    %dma_wait3A_15 = arith.constant 0 : i32
    %dma_wait3A_16 = tpu.memref_slice %arg2[%dma_wait3A_15, %add3A] : memref<2x320000xi32, #tpu.memory_space<hbm>> -> memref<2x10240xi32, #tpu.memory_space<hbm>>
    tpu.wait_dma2 semaphore(%arg9 : memref<!tpu.dma_semaphore, #tpu.memory_space<semaphore_mem>>) src(%dma_wait3A_16 : memref<2x10240xi32, #tpu.memory_space<hbm>>) dst(%arg4 : memref<2x10240xi32, #tpu.memory_space<vmem>>)
    %scan3A_17 = arith.constant 0 : i32
    %scan3A_18 = arith.constant 0 : i32
    %scan3A_19 = arith.constant 80 : i32
    %scan3A_20 = arith.addi %scan3A_18, %scan3A_19 : i32
    %scan3A_21 = arith.constant 1 : i32
    scf.for %scan3A_36 = %scan3A_18 to %scan3A_20 step %scan3A_21  : i32 {
      %mul3A_37 = arith.constant 8 : i32
      %mul3A_38 = arith.muli %scan3A_36, %mul3A_37 : i32
      %add3A_39 = arith.constant 0 : i32
      %add3A_40 = arith.addi %mul3A_38, %add3A_39 : i32
      %mul3A_41 = arith.constant 16 : i32
      %mul3A_42 = arith.muli %add3A_40, %mul3A_41 : i32
      %get3A = arith.constant 1 : i32
      %get3A_43 = arith.index_cast %get3A : i32 to index
      %get3A_44 = arith.index_cast %mul3A_42 : i32 to index
      %get3A_45 = tpu.vector_load %arg4[%get3A_43, %get3A_44] {strides = array<i32>} : memref<2x10240xi32, #tpu.memory_space<vmem>>, vector<16xi32>,
      tpu.vector_store_idx %arg5[%get3A_45], %broadcast_in_dim3A_8 : memref<10240xf32, #tpu.memory_space<vmem>>[vector<16xi32>], vector<16xf32>,
      %mul3A_46 = arith.constant 8 : i32
      %mul3A_47 = arith.muli %scan3A_36, %mul3A_46 : i32
      %add3A_48 = arith.constant 1 : i32
      %add3A_49 = arith.addi %mul3A_47, %add3A_48 : i32
      %mul3A_50 = arith.constant 16 : i32
      %mul3A_51 = arith.muli %add3A_49, %mul3A_50 : i32
      %get3A_52 = arith.constant 1 : i32
      %get3A_53 = arith.index_cast %get3A_52 : i32 to index
      %get3A_54 = arith.index_cast %mul3A_51 : i32 to index
      %get3A_55 = tpu.vector_load %arg4[%get3A_53, %get3A_54] {strides = array<i32>} : memref<2x10240xi32, #tpu.memory_space<vmem>>, vector<16xi32>,
      tpu.vector_store_idx %arg5[%get3A_55], %broadcast_in_dim3A_8 : memref<10240xf32, #tpu.memory_space<vmem>>[vector<16xi32>], vector<16xf32>,
      %mul3A_56 = arith.constant 8 : i32
      %mul3A_57 = arith.muli %scan3A_36, %mul3A_56 : i32
      %add3A_58 = arith.constant 2 : i32
      %add3A_59 = arith.addi %mul3A_57, %add3A_58 : i32
      %mul3A_60 = arith.constant 16 : i32
      %mul3A_61 = arith.muli %add3A_59, %mul3A_60 : i32
      %get3A_62 = arith.constant 1 : i32
      %get3A_63 = arith.index_cast %get3A_62 : i32 to index
      %get3A_64 = arith.index_cast %mul3A_61 : i32 to index
      %get3A_65 = tpu.vector_load %arg4[%get3A_63, %get3A_64] {strides = array<i32>} : memref<2x10240xi32, #tpu.memory_space<vmem>>, vector<16xi32>,
      tpu.vector_store_idx %arg5[%get3A_65], %broadcast_in_dim3A_8 : memref<10240xf32, #tpu.memory_space<vmem>>[vector<16xi32>], vector<16xf32>,
      %mul3A_66 = arith.constant 8 : i32
      %mul3A_67 = arith.muli %scan3A_36, %mul3A_66 : i32
      %add3A_68 = arith.constant 3 : i32
      %add3A_69 = arith.addi %mul3A_67, %add3A_68 : i32
      %mul3A_70 = arith.constant 16 : i32
      %mul3A_71 = arith.muli %add3A_69, %mul3A_70 : i32
      %get3A_72 = arith.constant 1 : i32
      %get3A_73 = arith.index_cast %get3A_72 : i32 to index
      %get3A_74 = arith.index_cast %mul3A_71 : i32 to index
      %get3A_75 = tpu.vector_load %arg4[%get3A_73, %get3A_74] {strides = array<i32>} : memref<2x10240xi32, #tpu.memory_space<vmem>>, vector<16xi32>,
      tpu.vector_store_idx %arg5[%get3A_75], %broadcast_in_dim3A_8 : memref<10240xf32, #tpu.memory_space<vmem>>[vector<16xi32>], vector<16xf32>,
      %mul3A_76 = arith.constant 8 : i32
      %mul3A_77 = arith.muli %scan3A_36, %mul3A_76 : i32
      %add3A_78 = arith.constant 4 : i32
      %add3A_79 = arith.addi %mul3A_77, %add3A_78 : i32
      %mul3A_80 = arith.constant 16 : i32
      %mul3A_81 = arith.muli %add3A_79, %mul3A_80 : i32
      %get3A_82 = arith.constant 1 : i32
      %get3A_83 = arith.index_cast %get3A_82 : i32 to index
      %get3A_84 = arith.index_cast %mul3A_81 : i32 to index
      %get3A_85 = tpu.vector_load %arg4[%get3A_83, %get3A_84] {strides = array<i32>} : memref<2x10240xi32, #tpu.memory_space<vmem>>, vector<16xi32>,
      tpu.vector_store_idx %arg5[%get3A_85], %broadcast_in_dim3A_8 : memref<10240xf32, #tpu.memory_space<vmem>>[vector<16xi32>], vector<16xf32>,
      %mul3A_86 = arith.constant 8 : i32
      %mul3A_87 = arith.muli %scan3A_36, %mul3A_86 : i32
      %add3A_88 = arith.constant 5 : i32
      %add3A_89 = arith.addi %mul3A_87, %add3A_88 : i32
      %mul3A_90 = arith.constant 16 : i32
      %mul3A_91 = arith.muli %add3A_89, %mul3A_90 : i32
      %get3A_92 = arith.constant 1 : i32
      %get3A_93 = arith.index_cast %get3A_92 : i32 to index
      %get3A_94 = arith.index_cast %mul3A_91 : i32 to index
      %get3A_95 = tpu.vector_load %arg4[%get3A_93, %get3A_94] {strides = array<i32>} : memref<2x10240xi32, #tpu.memory_space<vmem>>, vector<16xi32>,
      tpu.vector_store_idx %arg5[%get3A_95], %broadcast_in_dim3A_8 : memref<10240xf32, #tpu.memory_space<vmem>>[vector<16xi32>], vector<16xf32>,
      %mul3A_96 = arith.constant 8 : i32
      %mul3A_97 = arith.muli %scan3A_36, %mul3A_96 : i32
      %add3A_98 = arith.constant 6 : i32
      %add3A_99 = arith.addi %mul3A_97, %add3A_98 : i32
      %mul3A_100 = arith.constant 16 : i32
      %mul3A_101 = arith.muli %add3A_99, %mul3A_100 : i32
      %get3A_102 = arith.constant 1 : i32
      %get3A_103 = arith.index_cast %get3A_102 : i32 to index
      %get3A_104 = arith.index_cast %mul3A_101 : i32 to index
      %get3A_105 = tpu.vector_load %arg4[%get3A_103, %get3A_104] {strides = array<i32>} : memref<2x10240xi32, #tpu.memory_space<vmem>>, vector<16xi32>,
      tpu.vector_store_idx %arg5[%get3A_105], %broadcast_in_dim3A_8 : memref<10240xf32, #tpu.memory_space<vmem>>[vector<16xi32>], vector<16xf32>,
      %mul3A_106 = arith.constant 8 : i32
      %mul3A_107 = arith.muli %scan3A_36, %mul3A_106 : i32
      %add3A_108 = arith.constant 7 : i32
      %add3A_109 = arith.addi %mul3A_107, %add3A_108 : i32
      %mul3A_110 = arith.constant 16 : i32
      %mul3A_111 = arith.muli %add3A_109, %mul3A_110 : i32
      %get3A_112 = arith.constant 1 : i32
      %get3A_113 = arith.index_cast %get3A_112 : i32 to index
      %get3A_114 = arith.index_cast %mul3A_111 : i32 to index
      %get3A_115 = tpu.vector_load %arg4[%get3A_113, %get3A_114] {strides = array<i32>} : memref<2x10240xi32, #tpu.memory_space<vmem>>, vector<16xi32>,
      tpu.vector_store_idx %arg5[%get3A_115], %broadcast_in_dim3A_8 : memref<10240xf32, #tpu.memory_space<vmem>>[vector<16xi32>], vector<16xf32>,
    }
    %scan3A_22 = arith.constant 80 : i32
    "tpu.region"() ({
      %run_scoped3A = tpu.sem_alloc : memref<!tpu.dma_semaphore, #tpu.memory_space<semaphore_mem>>
      %dma_start3A_36 = arith.constant 0 : i32
      %dma_start3A_37 = tpu.memref_slice %arg8[%arg1, %dma_start3A_36] : memref<16x10240xf32, #tpu.memory_space<vmem_shared>> -> memref<1x10240xf32, #tpu.memory_space<vmem_shared>>
      %dma_start3A_38 = tpu.memref_squeeze %dma_start3A_37 : memref<1x10240xf32, #tpu.memory_space<vmem_shared>> -> memref<10240xf32, #tpu.memory_space<vmem_shared>>
      %dma_start3A_39 = arith.constant 0 : i32
      %dma_start3A_40 = tpu.memref_slice %arg8[%arg1, %dma_start3A_39] : memref<16x10240xf32, #tpu.memory_space<vmem_shared>> -> memref<1x10240xf32, #tpu.memory_space<vmem_shared>>
      %dma_start3A_41 = tpu.memref_squeeze %dma_start3A_40 : memref<1x10240xf32, #tpu.memory_space<vmem_shared>> -> memref<10240xf32, #tpu.memory_space<vmem_shared>>
      tpu.enqueue_dma source(%arg5 : memref<10240xf32, #tpu.memory_space<vmem>>) target(%dma_start3A_41 : memref<10240xf32, #tpu.memory_space<vmem_shared>>) target_semaphore(%run_scoped3A : memref<!tpu.dma_semaphore, #tpu.memory_space<semaphore_mem>>)
      %dma_wait3A_42 = arith.constant 0 : i32
      %dma_wait3A_43 = tpu.memref_slice %arg8[%arg1, %dma_wait3A_42] : memref<16x10240xf32, #tpu.memory_space<vmem_shared>> -> memref<1x10240xf32, #tpu.memory_space<vmem_shared>>
      %dma_wait3A_44 = tpu.memref_squeeze %dma_wait3A_43 : memref<1x10240xf32, #tpu.memory_space<vmem_shared>> -> memref<10240xf32, #tpu.memory_space<vmem_shared>>
      %dma_wait3A_45 = arith.constant 0 : i32
      %dma_wait3A_46 = tpu.memref_slice %arg8[%arg1, %dma_wait3A_45] : memref<16x10240xf32, #tpu.memory_space<vmem_shared>> -> memref<1x10240xf32, #tpu.memory_space<vmem_shared>>
      %dma_wait3A_47 = tpu.memref_squeeze %dma_wait3A_46 : memref<1x10240xf32, #tpu.memory_space<vmem_shared>> -> memref<10240xf32, #tpu.memory_space<vmem_shared>>
      tpu.wait_dma2 semaphore(%run_scoped3A : memref<!tpu.dma_semaphore, #tpu.memory_space<semaphore_mem>>) src(%arg5 : memref<10240xf32, #tpu.memory_space<vmem>>) dst(%dma_wait3A_47 : memref<10240xf32, #tpu.memory_space<vmem_shared>>)
      tpu.yield
    }) : () -> ()
    %barrier3A = arith.constant 0 : index
    tpu.barrier barrier_id(%barrier3A)
    %mul3A_23 = arith.constant 640 : i32
    %mul3A_24 = arith.muli %arg1, %mul3A_23 : i32
    "tpu.region"() ({
      %run_scoped3A = tpu.sem_alloc : memref<!tpu.dma_semaphore, #tpu.memory_space<semaphore_mem>>
      %dma_start3A_36 = arith.constant 0 : i32
      %dma_start3A_37 = tpu.memref_slice %arg8[%dma_start3A_36, %mul3A_24] : memref<16x10240xf32, #tpu.memory_space<vmem_shared>> -> memref<16x640xf32, #tpu.memory_space<vmem_shared>>
      %dma_start3A_38 = arith.constant 0 : i32
      %dma_start3A_39 = tpu.memref_slice %arg8[%dma_start3A_38, %mul3A_24] : memref<16x10240xf32, #tpu.memory_space<vmem_shared>> -> memref<16x640xf32, #tpu.memory_space<vmem_shared>>
      tpu.enqueue_dma source(%dma_start3A_39 : memref<16x640xf32, #tpu.memory_space<vmem_shared>>) target(%arg7 : memref<16x640xf32, #tpu.memory_space<vmem>>) target_semaphore(%run_scoped3A : memref<!tpu.dma_semaphore, #tpu.memory_space<semaphore_mem>>)
      %dma_wait3A_40 = arith.constant 0 : i32
      %dma_wait3A_41 = tpu.memref_slice %arg8[%dma_wait3A_40, %mul3A_24] : memref<16x10240xf32, #tpu.memory_space<vmem_shared>> -> memref<16x640xf32, #tpu.memory_space<vmem_shared>>
      %dma_wait3A_42 = arith.constant 0 : i32
      %dma_wait3A_43 = tpu.memref_slice %arg8[%dma_wait3A_42, %mul3A_24] : memref<16x10240xf32, #tpu.memory_space<vmem_shared>> -> memref<16x640xf32, #tpu.memory_space<vmem_shared>>
      tpu.wait_dma2 semaphore(%run_scoped3A : memref<!tpu.dma_semaphore, #tpu.memory_space<semaphore_mem>>) src(%dma_wait3A_43 : memref<16x640xf32, #tpu.memory_space<vmem_shared>>) dst(%arg7 : memref<16x640xf32, #tpu.memory_space<vmem>>)
      tpu.yield
    }) : () -> ()
    %scan3A_25 = arith.constant 0 : i32
    %scan3A_26 = arith.constant 0 : i32
    %scan3A_27 = arith.constant 40 : i32
    %scan3A_28 = arith.addi %scan3A_26, %scan3A_27 : i32
    %scan3A_29 = arith.constant 1 : i32
    scf.for %scan3A_36 = %scan3A_26 to %scan3A_28 step %scan3A_29  : i32 {
      %mul3A_37 = arith.constant 16 : i32
      %mul3A_38 = arith.muli %scan3A_36, %mul3A_37 : i32
      %get3A = arith.constant 0 : i32
      %get3A_39 = arith.index_cast %get3A : i32 to index
      %get3A_40 = arith.index_cast %mul3A_38 : i32 to index
      %get3A_41 = tpu.vector_load %arg7[%get3A_39, %get3A_40] {strides = array<i32>} : memref<16x640xf32, #tpu.memory_space<vmem>>, vector<16xf32>,
      %mul3A_42 = arith.constant 16 : i32
      %mul3A_43 = arith.muli %scan3A_36, %mul3A_42 : i32
      %get3A_44 = arith.constant 1 : i32
      %get3A_45 = arith.index_cast %get3A_44 : i32 to index
      %get3A_46 = arith.index_cast %mul3A_43 : i32 to index
      %get3A_47 = tpu.vector_load %arg7[%get3A_45, %get3A_46] {strides = array<i32>} : memref<16x640xf32, #tpu.memory_space<vmem>>, vector<16xf32>,
      %add3A_48 = arith.addf %get3A_41, %get3A_47 : vector<16xf32>
      %mul3A_49 = arith.constant 16 : i32
      %mul3A_50 = arith.muli %scan3A_36, %mul3A_49 : i32
      %get3A_51 = arith.constant 2 : i32
      %get3A_52 = arith.index_cast %get3A_51 : i32 to index
      %get3A_53 = arith.index_cast %mul3A_50 : i32 to index
      %get3A_54 = tpu.vector_load %arg7[%get3A_52, %get3A_53] {strides = array<i32>} : memref<16x640xf32, #tpu.memory_space<vmem>>, vector<16xf32>,
      %add3A_55 = arith.addf %add3A_48, %get3A_54 : vector<16xf32>
      %mul3A_56 = arith.constant 16 : i32
      %mul3A_57 = arith.muli %scan3A_36, %mul3A_56 : i32
      %get3A_58 = arith.constant 3 : i32
      %get3A_59 = arith.index_cast %get3A_58 : i32 to index
      %get3A_60 = arith.index_cast %mul3A_57 : i32 to index
      %get3A_61 = tpu.vector_load %arg7[%get3A_59, %get3A_60] {strides = array<i32>} : memref<16x640xf32, #tpu.memory_space<vmem>>, vector<16xf32>,
      %add3A_62 = arith.addf %add3A_55, %get3A_61 : vector<16xf32>
      %mul3A_63 = arith.constant 16 : i32
      %mul3A_64 = arith.muli %scan3A_36, %mul3A_63 : i32
      %get3A_65 = arith.constant 4 : i32
      %get3A_66 = arith.index_cast %get3A_65 : i32 to index
      %get3A_67 = arith.index_cast %mul3A_64 : i32 to index
      %get3A_68 = tpu.vector_load %arg7[%get3A_66, %get3A_67] {strides = array<i32>} : memref<16x640xf32, #tpu.memory_space<vmem>>, vector<16xf32>,
      %add3A_69 = arith.addf %add3A_62, %get3A_68 : vector<16xf32>
      %mul3A_70 = arith.constant 16 : i32
      %mul3A_71 = arith.muli %scan3A_36, %mul3A_70 : i32
      %get3A_72 = arith.constant 5 : i32
      %get3A_73 = arith.index_cast %get3A_72 : i32 to index
      %get3A_74 = arith.index_cast %mul3A_71 : i32 to index
      %get3A_75 = tpu.vector_load %arg7[%get3A_73, %get3A_74] {strides = array<i32>} : memref<16x640xf32, #tpu.memory_space<vmem>>, vector<16xf32>,
      %add3A_76 = arith.addf %add3A_69, %get3A_75 : vector<16xf32>
      %mul3A_77 = arith.constant 16 : i32
      %mul3A_78 = arith.muli %scan3A_36, %mul3A_77 : i32
      %get3A_79 = arith.constant 6 : i32
      %get3A_80 = arith.index_cast %get3A_79 : i32 to index
      %get3A_81 = arith.index_cast %mul3A_78 : i32 to index
      %get3A_82 = tpu.vector_load %arg7[%get3A_80, %get3A_81] {strides = array<i32>} : memref<16x640xf32, #tpu.memory_space<vmem>>, vector<16xf32>,
      %add3A_83 = arith.addf %add3A_76, %get3A_82 : vector<16xf32>
      %mul3A_84 = arith.constant 16 : i32
      %mul3A_85 = arith.muli %scan3A_36, %mul3A_84 : i32
      %get3A_86 = arith.constant 7 : i32
      %get3A_87 = arith.index_cast %get3A_86 : i32 to index
      %get3A_88 = arith.index_cast %mul3A_85 : i32 to index
      %get3A_89 = tpu.vector_load %arg7[%get3A_87, %get3A_88] {strides = array<i32>} : memref<16x640xf32, #tpu.memory_space<vmem>>, vector<16xf32>,
      %add3A_90 = arith.addf %add3A_83, %get3A_89 : vector<16xf32>
      %mul3A_91 = arith.constant 16 : i32
      %mul3A_92 = arith.muli %scan3A_36, %mul3A_91 : i32
      %get3A_93 = arith.constant 8 : i32
      %get3A_94 = arith.index_cast %get3A_93 : i32 to index
      %get3A_95 = arith.index_cast %mul3A_92 : i32 to index
      %get3A_96 = tpu.vector_load %arg7[%get3A_94, %get3A_95] {strides = array<i32>} : memref<16x640xf32, #tpu.memory_space<vmem>>, vector<16xf32>,
      %add3A_97 = arith.addf %add3A_90, %get3A_96 : vector<16xf32>
      %mul3A_98 = arith.constant 16 : i32
      %mul3A_99 = arith.muli %scan3A_36, %mul3A_98 : i32
      %get3A_100 = arith.constant 9 : i32
      %get3A_101 = arith.index_cast %get3A_100 : i32 to index
      %get3A_102 = arith.index_cast %mul3A_99 : i32 to index
      %get3A_103 = tpu.vector_load %arg7[%get3A_101, %get3A_102] {strides = array<i32>} : memref<16x640xf32, #tpu.memory_space<vmem>>, vector<16xf32>,
      %add3A_104 = arith.addf %add3A_97, %get3A_103 : vector<16xf32>
      %mul3A_105 = arith.constant 16 : i32
      %mul3A_106 = arith.muli %scan3A_36, %mul3A_105 : i32
      %get3A_107 = arith.constant 10 : i32
      %get3A_108 = arith.index_cast %get3A_107 : i32 to index
      %get3A_109 = arith.index_cast %mul3A_106 : i32 to index
      %get3A_110 = tpu.vector_load %arg7[%get3A_108, %get3A_109] {strides = array<i32>} : memref<16x640xf32, #tpu.memory_space<vmem>>, vector<16xf32>,
      %add3A_111 = arith.addf %add3A_104, %get3A_110 : vector<16xf32>
      %mul3A_112 = arith.constant 16 : i32
      %mul3A_113 = arith.muli %scan3A_36, %mul3A_112 : i32
      %get3A_114 = arith.constant 11 : i32
      %get3A_115 = arith.index_cast %get3A_114 : i32 to index
      %get3A_116 = arith.index_cast %mul3A_113 : i32 to index
      %get3A_117 = tpu.vector_load %arg7[%get3A_115, %get3A_116] {strides = array<i32>} : memref<16x640xf32, #tpu.memory_space<vmem>>, vector<16xf32>,
      %add3A_118 = arith.addf %add3A_111, %get3A_117 : vector<16xf32>
      %mul3A_119 = arith.constant 16 : i32
      %mul3A_120 = arith.muli %scan3A_36, %mul3A_119 : i32
      %get3A_121 = arith.constant 12 : i32
      %get3A_122 = arith.index_cast %get3A_121 : i32 to index
      %get3A_123 = arith.index_cast %mul3A_120 : i32 to index
      %get3A_124 = tpu.vector_load %arg7[%get3A_122, %get3A_123] {strides = array<i32>} : memref<16x640xf32, #tpu.memory_space<vmem>>, vector<16xf32>,
      %add3A_125 = arith.addf %add3A_118, %get3A_124 : vector<16xf32>
      %mul3A_126 = arith.constant 16 : i32
      %mul3A_127 = arith.muli %scan3A_36, %mul3A_126 : i32
      %get3A_128 = arith.constant 13 : i32
      %get3A_129 = arith.index_cast %get3A_128 : i32 to index
      %get3A_130 = arith.index_cast %mul3A_127 : i32 to index
      %get3A_131 = tpu.vector_load %arg7[%get3A_129, %get3A_130] {strides = array<i32>} : memref<16x640xf32, #tpu.memory_space<vmem>>, vector<16xf32>,
      %add3A_132 = arith.addf %add3A_125, %get3A_131 : vector<16xf32>
      %mul3A_133 = arith.constant 16 : i32
      %mul3A_134 = arith.muli %scan3A_36, %mul3A_133 : i32
      %get3A_135 = arith.constant 14 : i32
      %get3A_136 = arith.index_cast %get3A_135 : i32 to index
      %get3A_137 = arith.index_cast %mul3A_134 : i32 to index
      %get3A_138 = tpu.vector_load %arg7[%get3A_136, %get3A_137] {strides = array<i32>} : memref<16x640xf32, #tpu.memory_space<vmem>>, vector<16xf32>,
      %add3A_139 = arith.addf %add3A_132, %get3A_138 : vector<16xf32>
      %mul3A_140 = arith.constant 16 : i32
      %mul3A_141 = arith.muli %scan3A_36, %mul3A_140 : i32
      %get3A_142 = arith.constant 15 : i32
      %get3A_143 = arith.index_cast %get3A_142 : i32 to index
      %get3A_144 = arith.index_cast %mul3A_141 : i32 to index
      %get3A_145 = tpu.vector_load %arg7[%get3A_143, %get3A_144] {strides = array<i32>} : memref<16x640xf32, #tpu.memory_space<vmem>>, vector<16xf32>,
      %add3A_146 = arith.addf %add3A_139, %get3A_145 : vector<16xf32>
      %gt3A = arith.constant 0.000000e+00 : f32
      %gt3A_147 = vector.broadcast %gt3A : f32 to vector<16xf32>
      %gt3A_148 = arith.cmpf ogt, %add3A_146, %gt3A_147 : vector<16xf32>
      %select_n3A = arith.select %gt3A_148, %broadcast_in_dim3A_8, %broadcast_in_dim3A_6 : vector<16xi1>, vector<16xf32>
      %mul3A_149 = arith.constant 16 : i32
      %mul3A_150 = arith.muli %scan3A_36, %mul3A_149 : i32
      %swap3A = arith.index_cast %mul3A_150 : i32 to index
      %swap3A_151 = tpu.vector_load %arg6[%swap3A] {strides = array<i32>} : memref<640xf32, #tpu.memory_space<vmem>>, vector<16xf32>,
      tpu.vector_store %arg6[%swap3A], %select_n3A {strides = array<i32>} : memref<640xf32, #tpu.memory_space<vmem>>, vector<16xf32>,
    }
    %scan3A_30 = arith.constant 40 : i32
    %mul3A_31 = arith.constant 10240 : i32
    %mul3A_32 = arith.muli %arg0, %mul3A_31 : i32
    %mul3A_33 = arith.constant 640 : i32
    %mul3A_34 = arith.muli %arg1, %mul3A_33 : i32
    %add3A_35 = arith.addi %mul3A_32, %mul3A_34 : i32
    "tpu.region"() ({
      %run_scoped3A = tpu.sem_alloc : memref<!tpu.dma_semaphore, #tpu.memory_space<semaphore_mem>>
      %dma_start3A_36 = tpu.memref_slice %arg3[%add3A_35] : memref<20480xf32, #tpu.memory_space<hbm>> -> memref<640xf32, #tpu.memory_space<hbm>>
      %dma_start3A_37 = tpu.memref_slice %arg3[%add3A_35] : memref<20480xf32, #tpu.memory_space<hbm>> -> memref<640xf32, #tpu.memory_space<hbm>>
      tpu.enqueue_dma source(%arg6 : memref<640xf32, #tpu.memory_space<vmem>>) target(%dma_start3A_37 : memref<640xf32, #tpu.memory_space<hbm>>) target_semaphore(%run_scoped3A : memref<!tpu.dma_semaphore, #tpu.memory_space<semaphore_mem>>)
      %dma_wait3A_38 = tpu.memref_slice %arg3[%add3A_35] : memref<20480xf32, #tpu.memory_space<hbm>> -> memref<640xf32, #tpu.memory_space<hbm>>
      %dma_wait3A_39 = tpu.memref_slice %arg3[%add3A_35] : memref<20480xf32, #tpu.memory_space<hbm>> -> memref<640xf32, #tpu.memory_space<hbm>>
      tpu.wait_dma2 semaphore(%run_scoped3A : memref<!tpu.dma_semaphore, #tpu.memory_space<semaphore_mem>>) src(%arg6 : memref<640xf32, #tpu.memory_space<vmem>>) dst(%dma_wait3A_39 : memref<640xf32, #tpu.memory_space<hbm>>)
      tpu.yield
    }) : () -> ()
    return
  }
}

module attributes {stable_mosaic.version = 14 : i64} {
  func.func @_tc_body(%arg0: i32, %arg1: memref<5000x128xf32, #tpu.memory_space<vmem>>, %arg2: memref<128x128xf32, #tpu.memory_space<vmem>>, %arg3: memref<1x128xf32, #tpu.memory_space<vmem>>, %arg4: memref<128x128xf32, #tpu.memory_space<vmem>>, %arg5: memref<1x128xf32, #tpu.memory_space<vmem>>, %arg6: memref<5000x1xf32, #tpu.memory_space<vmem>>, %arg7: memref<5000x128xf32, #tpu.memory_space<vmem>>) attributes {dimension_semantics = [#tpu.dimension_semantics<arbitrary>], iteration_bounds = array<i64: 2>, scalar_prefetch = 0 : i64, scratch_operands = 0 : i64, tpu.core_type = #tpu.core_type<tc>, window_params = [{transform_indices = @transform_0, window_bounds = array<i64: 5000, 128>}, {pipeline_mode = #tpu.pipeline_mode<synchronous>, transform_indices = @transform_1, window_bounds = array<i64: 128, 128>}, {pipeline_mode = #tpu.pipeline_mode<synchronous>, transform_indices = @transform_2, window_bounds = array<i64: 1, 128>}, {pipeline_mode = #tpu.pipeline_mode<synchronous>, transform_indices = @transform_3, window_bounds = array<i64: 128, 128>}, {pipeline_mode = #tpu.pipeline_mode<synchronous>, transform_indices = @transform_4, window_bounds = array<i64: 1, 128>}, {transform_indices = @transform_5, window_bounds = array<i64: 5000, 1>}, {transform_indices = @transform_6, window_bounds = array<i64: 5000, 128>}]} {
    %get3A = arith.constant 0 : index
    %get3A_0 = arith.constant 0 : index
    %get3A_1 = vector.load %arg1[%get3A, %get3A_0] : memref<5000x128xf32, #tpu.memory_space<vmem>>, vector<5000x128xf32>
    %get3A_2 = arith.constant 0 : index
    %get3A_3 = arith.constant 0 : index
    %get3A_4 = vector.load %arg2[%get3A_2, %get3A_3] : memref<128x128xf32, #tpu.memory_space<vmem>>, vector<128x128xf32>
    %dot_general3A = arith.constant dense<0.000000e+00> : vector<5000x128xf32>
    %dot_general3A_5 = tpu.matmul %get3A_1, %get3A_4, %dot_general3A {dimension_numbers = #tpu.dot_dimension_numbers<[1], [0], [0], [1], [0, 0, 1, 1], [], []>, transpose_lhs_hint = false} : vector<5000x128xf32>, vector<128x128xf32>, vector<5000x128xf32> -> vector<5000x128xf32>
    %get3A_6 = arith.constant 0 : index
    %get3A_7 = arith.constant 0 : index
    %get3A_8 = vector.load %arg3[%get3A_6, %get3A_7] : memref<1x128xf32, #tpu.memory_space<vmem>>, vector<1x128xf32>
    %add3A = vector.broadcast %get3A_8 : vector<1x128xf32> to vector<5000x128xf32>
    %add3A_9 = arith.addf %dot_general3A_5, %add3A : vector<5000x128xf32>
    %get3A_10 = arith.constant 0 : index
    %get3A_11 = arith.constant 0 : index
    %get3A_12 = vector.load %arg6[%get3A_10, %get3A_11] : memref<5000x1xf32, #tpu.memory_space<vmem>>, vector<5000x1xf32>
    %mul3A = vector.broadcast %get3A_12 : vector<5000x1xf32> to vector<5000x128xf32>
    %mul3A_13 = arith.mulf %add3A_9, %mul3A : vector<5000x128xf32>
    %get3A_14 = arith.constant 0 : index
    %get3A_15 = arith.constant 0 : index
    %get3A_16 = vector.load %arg4[%get3A_14, %get3A_15] : memref<128x128xf32, #tpu.memory_space<vmem>>, vector<128x128xf32>
    %dot_general3A_17 = arith.constant dense<0.000000e+00> : vector<5000x128xf32>
    %dot_general3A_18 = tpu.matmul %mul3A_13, %get3A_16, %dot_general3A_17 {dimension_numbers = #tpu.dot_dimension_numbers<[1], [0], [0], [1], [0, 0, 1, 1], [], []>, transpose_lhs_hint = false} : vector<5000x128xf32>, vector<128x128xf32>, vector<5000x128xf32> -> vector<5000x128xf32>
    %get3A_19 = arith.constant 0 : index
    %get3A_20 = arith.constant 0 : index
    %get3A_21 = vector.load %arg5[%get3A_19, %get3A_20] : memref<1x128xf32, #tpu.memory_space<vmem>>, vector<1x128xf32>
    %add3A_22 = vector.broadcast %get3A_21 : vector<1x128xf32> to vector<5000x128xf32>
    %add3A_23 = arith.addf %dot_general3A_18, %add3A_22 : vector<5000x128xf32>
    %swap3A = arith.constant 0 : index
    %swap3A_24 = arith.constant 0 : index
    %swap3A_25 = vector.load %arg7[%swap3A, %swap3A_24] : memref<5000x128xf32, #tpu.memory_space<vmem>>, vector<5000x128xf32>
    tpu.vector_store %arg7[%swap3A, %swap3A_24], %add3A_23 {strides = array<i32>} : memref<5000x128xf32, #tpu.memory_space<vmem>>, vector<5000x128xf32>,
    return
  }
  func.func @transform_0(%arg0: i32) -> (i32, i32) {
    %c0_i32 = arith.constant 0 : i32
    %c0_i32_0 = arith.constant 0 : i32
    return %arg0, %c0_i32 : i32, i32
  }
  func.func @transform_1(%arg0: i32) -> (i32, i32) {
    %c0_i32 = arith.constant 0 : i32
    %c0_i32_0 = arith.constant 0 : i32
    %c0_i32_1 = arith.constant 0 : i32
    return %c0_i32, %c0_i32_0 : i32, i32
  }
  func.func @transform_2(%arg0: i32) -> (i32, i32) {
    %c0_i32 = arith.constant 0 : i32
    %c0_i32_0 = arith.constant 0 : i32
    %c0_i32_1 = arith.constant 0 : i32
    return %c0_i32, %c0_i32_0 : i32, i32
  }
  func.func @transform_3(%arg0: i32) -> (i32, i32) {
    %c0_i32 = arith.constant 0 : i32
    %c0_i32_0 = arith.constant 0 : i32
    %c0_i32_1 = arith.constant 0 : i32
    return %c0_i32, %c0_i32_0 : i32, i32
  }
  func.func @transform_4(%arg0: i32) -> (i32, i32) {
    %c0_i32 = arith.constant 0 : i32
    %c0_i32_0 = arith.constant 0 : i32
    %c0_i32_1 = arith.constant 0 : i32
    return %c0_i32, %c0_i32_0 : i32, i32
  }
  func.func @transform_5(%arg0: i32) -> (i32, i32) {
    %c0_i32 = arith.constant 0 : i32
    %c0_i32_0 = arith.constant 0 : i32
    return %arg0, %c0_i32 : i32, i32
  }
  func.func @transform_6(%arg0: i32) -> (i32, i32) {
    %c0_i32 = arith.constant 0 : i32
    %c0_i32_0 = arith.constant 0 : i32
    return %arg0, %c0_i32 : i32, i32
  }
}

</mosaic_0001>

<sc_bundles>
// kernel: kernel.4.cloned.1.call-start
scs
__scs_entry_jumppad:
0x0: {  	(pc) =	sbr.rel $0x88, $3  }
0x1: {  	(tag) =	ssettag $0x0;
	lr =	simm.s32 $0x1  }
0x2: {  	[smem:$0x3F9B] =	sst lr;
	_ =	strace $0xD0000000  }
0x3: {  	_ = 	snop  }
0x4: {  	_ = 	snop  }
0x5: {  	_ = 	snop  }
0x6: {  	_ = 	snop  }
0x7: {  	_ = 	snop  }
__scs_overlays_trampoline_lowered:
0x8: {  	[smem:$0x3FAA] =	sst s0  }
0x9: {  	[smem:$0x3FAB] =	sst s1  }
0xa: {  	[smem:$0x3FAC] =	sst s2  }
0xb: {  	[smem:$0x3FAD] =	sst s3  }
0xc: {  	[smem:$0x3FAE] =	sst s4  }
0xd: {  	[smem:$0x3FAF] =	sst s5  }
0xe: {  	[smem:$0x3FB0] =	sst s6  }
0xf: {  	[smem:$0x3FB1] =	sst s7  }
0x10: {  	[smem:$0x3FB2] =	sst s8  }
0x11: {  	[smem:$0x3FB3] =	sst s9;
	s0 =	simm.s32 @!p0 $0x0  }
0x12: {  	s1 =	sld [smem:$0x3F99];
	s0 =	simm.s32 @p0 $0x1  }
0x13: {  	[smem:$0x3FB4] =	sst s0;
	s0 =	simm.s32 @!p1 $0x0  }
0x14: {  	s2 =	sld [smem:$0x3F98];
	s0 =	simm.s32 @p1 $0x1  }
0x15: {  	[smem:$0x3FB5] =	sst s0;
	s0 =	simm.s32 @!p2 $0x0  }
0x16: {  	s3 =	sld [smem:$0x3FDB];
	s0 =	simm.s32 @p2 $0x1  }
0x17: {  	s4 =	simm.s32 $0x1BF5;
	[smem:$0x3FB7] =	sst s0  }
0x18: {  	s0 =	sld [smem:$0x3F9A];
	_ =	swait.ge [sflag:s4], $0x0  }
0x19: {  	s7 =	sld [smem:$0x3F9B]  }
0x1a: {  	s8 =	sadd.s32 $0xFFFFE003, lr  }
0x1b: {  	s9 =	sadd.s32 $0xFFFFFEF7, lr;
	s5 =	simm.s32 $0xFFFFFFFF;
	p2 =	slt.u32 s8, $0xFFFFF086  }
0x1c: {  	p1 =	slt.u32 s9, $0xF7A;
	s5 =	simm.s32 @!p2 $0x0  }
0x1d: {  	s5 =	simm.s32 @p1 $0x1;
	p0 =	seq.s32 s7, s2  }
0x1e: {  	s7 =	smul.u32 @!p0 $0xF7A, s2;
	p2 =	seq.s32 @!p0 s5, $0x0  }
0x1f: {  	s9 =	smul.u32 $0xF7A, s1;
	s8 =	simm.s32 @!p0 $0x1BF5;
	p2 =	por !p2, p0  }
0x20: {  	[sflag:s8] =	ssyncset.s32 @!p0 $0xFFFFF086;
	s6 =	sadd.s32 @!p0 s3, s7;
	s7 =	simm.s32 @!p0 $0x108  }
0x21: {  	s3 =	sadd.s32 s3, s9;
	s6 =	sadd.s32 @!p0 $0x88, s6;
	s7 =	simm.s32 @p2 $0x1082  }
0x22: {  	[simem:s7], [sflag:s8] =	dma.local @!p0 [hbm:s6], $0xF7A  }
0x23: {  	s9 =	sor.u32 $0xD0000000, s2;
	s6 =	simm.s32 $0x108;
	_ =	swait.ge @!p0 [sflag:s8], $0x0  }
0x24: {  	s3 =	sadd.s32 $0x88, s3;
	s6 =	simm.s32 @!p1 $0x1082;
	[sflag:s4] =	ssyncset.s32 $0xFFFFF086  }
0x25: {  	[simem:s6], [sflag:s4] =	dma.local [hbm:s3], $0xF7A  }
0x26: {  	[smem:$0x3F9B] =	sst s1;
	(tag) =	ssettag s2;
	_ =	strace s9  }
0x27: {  	s1 =	sld [smem:$0x3FAB]  }
0x28: {  	s2 =	sld [smem:$0x3FAC]  }
0x29: {  	s4 =	sld [smem:$0x3FAE]  }
0x2a: {  	p0 =	seq.s32 s5, $0x0;
	s5 =	sld [smem:$0x3FAF]  }
0x2b: {  	s6 =	sld [smem:$0x3FB0]  }
0x2c: {  	s7 =	sld [smem:$0x3FB1]  }
0x2d: {  	s3 =	simm.s32 $0x108;
	s8 =	sld [smem:$0x3FB2]  }
0x2e: {  	s3 =	simm.s32 @!p0 $0x1082;
	s9 =	sld [smem:$0x3FB3]  }
0x2f: {  	lr =	sadd.s32 s0, s3;
	s0 =	sld [smem:$0x3FAA]  }
0x30: {  	s3 =	sld [smem:$0x3FAD]  }
0x31: {  	[smem:$0x3FB6] =	sst s10  }
0x32: {  	s10 =	sld [smem:$0x3FB4];
	_ =	sdelay $0x3  }
0x33: {  	p0 =	seq.s32 s10, $0x1;
	s10 =	sld [smem:$0x3FB6];
	_ =	sdelay $0x3  }
0x34: {  	[smem:$0x3FB6] =	sst s10  }
0x35: {  	s10 =	sld [smem:$0x3FB5];
	_ =	sdelay $0x3  }
0x36: {  	p1 =	seq.s32 s10, $0x1;
	s10 =	sld [smem:$0x3FB6];
	_ =	sdelay $0x3  }
0x37: {  	[smem:$0x3FB6] =	sst s10  }
0x38: {  	s10 =	sld [smem:$0x3FB7]  }
0x39: {  	_ = 	snop;
	(pc) =	sbr.ind lr, $3  }
0x3a: {  	_ = 	snop  }
0x3b: {  	_ = 	snop  }
0x3c: {  	p2 =	seq.s32 s10, $0x1;
	s10 =	sld [smem:$0x3FB6]  }
0x3d: {  	_ =	shalt  }
0x3e: {  	_ =	shalt  }
0x3f: {  	_ =	shalt  }
0x40: {  	_ =	shalt  }
0x41: {  	_ =	shalt  }
0x42: {  	_ =	shalt  }
0x43: {  	_ =	shalt  }
0x44: {  	_ =	shalt  }
0x45: {  	_ =	shalt  }
0x46: {  	_ =	shalt  }
0x47: {  	_ =	shalt  }
0x48: {  	_ =	shalt  }
0x49: {  	_ =	shalt  }
0x4a: {  	_ =	shalt  }
0x4b: {  	_ =	shalt  }
0x4c: {  	_ =	shalt  }
0x4d: {  	_ =	shalt  }
0x4e: {  	_ =	shalt  }
0x4f: {  	_ =	shalt  }
0x50: {  	_ =	shalt  }
0x51: {  	_ =	shalt  }
0x52: {  	_ =	shalt  }
0x53: {  	_ =	shalt  }
0x54: {  	_ =	shalt  }
0x55: {  	_ =	shalt  }
0x56: {  	_ =	shalt  }
0x57: {  	_ =	shalt  }
0x58: {  	_ =	shalt  }
0x59: {  	_ =	shalt  }
0x5a: {  	_ =	shalt  }
0x5b: {  	_ =	shalt  }
0x5c: {  	_ =	shalt  }
0x5d: {  	_ =	shalt  }
0x5e: {  	_ =	shalt  }
0x5f: {  	_ =	shalt  }
0x60: {  	_ =	shalt  }
0x61: {  	_ =	shalt  }
0x62: {  	_ =	shalt  }
0x63: {  	_ =	shalt  }
0x64: {  	_ =	shalt  }
0x65: {  	_ =	shalt  }
0x66: {  	_ =	shalt  }
0x67: {  	_ =	shalt  }
0x68: {  	_ =	shalt  }
0x69: {  	_ =	shalt  }
0x6a: {  	_ =	shalt  }
0x6b: {  	_ =	shalt  }
0x6c: {  	_ =	shalt  }
0x6d: {  	_ =	shalt  }
0x6e: {  	_ =	shalt  }
0x6f: {  	_ =	shalt  }
0x70: {  	_ =	shalt  }
0x71: {  	_ =	shalt  }
0x72: {  	_ =	shalt  }
0x73: {  	_ =	shalt  }
0x74: {  	_ =	shalt  }
0x75: {  	_ =	shalt  }
0x76: {  	_ =	shalt  }
0x77: {  	_ =	shalt  }
0x78: {  	_ =	shalt  }
0x79: {  	_ =	shalt  }
0x7a: {  	_ =	shalt  }
0x7b: {  	_ =	shalt  }
0x7c: {  	_ =	shalt  }
0x7d: {  	_ =	shalt  }
0x7e: {  	_ =	shalt  }
0x7f: {  	_ =	shalt  }
0x80: {  	_ =	shalt  }
0x81: {  	_ =	shalt  }
0x82: {  	_ =	shalt  }
0x83: {  	_ =	shalt  }
0x84: {  	_ =	shalt  }
0x85: {  	_ =	shalt  }
0x86: {  	_ =	shalt  }
0x87: {  	_ =	shalt  }
.Lfunc_end0:
.L_simem_size_0:
called_computation_lowered:
.L_overlay_start_0:
0x88: {  	s2 =	sld [smem:$0x3FD9]  }
0x89: {  	s3 =	sld [smem:$0x3FFE];
	_ =	sdelay $0x1  }
0x8a: {  	s1 =	srdreg.scid  }
0x8b: {  	s0 =	sand.u32 $0x1, s1  }
0x8c: {  	s18 =	sshll.u32 s0, $0xA;
	s2 =	sadd.s32 s3, s2  }
0x8d: {  	s2 =	sadd.s32 s2, s18  }
0x8e: {  	[smem:$0x3FC2] =	sst s2  }
0x8f: {  	_ = 	snop  }
0x90: {  	s2 =	sld [smem:$0x3FC8]  }
0x91: {  	s19 =	sld [smem:$0x3FD0];
	(tm) =	ssettm $0x1  }
0x92: {  	s4 =	sld [smem:$0x3FFB];
	_ =	sdelay $0x3  }
0x93: {  	_ =	strace s4  }
0x94: {  	s4 =	sld [smem:$0x3FFC];
	_ =	sdelay $0x3  }
0x95: {  	_ =	strace s4  }
0x96: {  	s4 =	sld [smem:$0x3FFD];
	_ =	sdelay $0x3  }
0x97: {  	_ =	strace s4  }
0x98: {  	_ =	strace $0x8FFFFFFF  }
0x99: {  	s20 =	sld [smem:$0x3FDB];
	_ =	sdelay $0x1  }
0x9a: {  	s5 =	simm.s32 $_scs_section_size  }
0x9b: {  	s6 =	simm.s32 $_size__tile_overlayer_lowered;
	s7 =	simm.s32 $_tile_overlayer_lowered  }
0x9c: {  	s23 =	simm.s32 $0x1BFF;
	s22 =	sshll.u32 s7, $0x1;
	s4 =	sadd.s32 s5, s20  }
0x9d: {  	s8 =	simm.s32 $0x0;
	s21 =	sshll.u32 s6, $0x1;
	s6 =	sadd.s32 s22, s4  }
0x9e: {  	[timem:s8], [sflag:s23] =	dma.local [hbm:s6], s21  }
0x9f: {  	_ =	swait.ge [sflag:s23], s21  }
0xa0: {  	s5 =	ssub.s32 $0x0, s21;
	[sflag:s23] =	ssyncset.done $0x0  }
0xa1: {  	[sflag:s23] =	ssyncadd.s32 s5;
	_ =	sdelay $0x1  }
0xa2: {  	s24 =	simm.s32 $0x1B8B  }
0xa3: {  	_ =	swait.ge [sflag:s24], $0x1  }
0xa4: {  	[sflag:s24] =	ssyncset.done $0x0  }
0xa5: {  	s25 =	simm.s32 $0x1B8E;
	[sflag:s24] =	ssyncadd.s32 $0xFFFFFFFF  }
0xa6: {  	s26 =	simm.s32 $execute0_lowered;
	[smem:$0x3FD2] =	sst s25  }
0xa7: {  	s5 =	sshll.u32 s26, $0x1;
	_ =	strace $0x80000046;
	[dreg:$0x1] =	wrdreg $0xFFFFFFFF  }
0xa8: {  	s28 =	simm.s32 $_size_execute0_lowered;
	s4 =	sadd.s32 s4, s5;
	[dreg:$0x0] =	wrdreg $0x0  }
0xa9: {  	s5 =	sshll.u32 s28, $0x1;
	[dreg:$0x2] =	wrdreg s4  }
0xaa: {  	[dreg:$0x3] =	wrdreg s5  }
0xab: {  	[dreg:$0x4] =	wrdreg $0xC0  }
0xac: {  	_ =	task [dreg:s8], $0x5FFFF  }
0xad: {  	[dreg:$0x1] =	wrdreg $0xFFFFFFFF  }
0xae: {  	[dreg:$0x0] =	wrdreg $0x60  }
0xaf: {  	[dreg:$0x2] =	wrdreg s2  }
0xb0: {  	[dreg:$0x3] =	wrdreg s19  }
0xb1: {  	[dreg:$0x4] =	wrdreg $0xA2800  }
0xb2: {  	[dreg:$0x5] =	wrdreg $0x9  }
0xb3: {  	_ =	task.clear_ibuf [dreg:s8], $0x6FFFF;
	_ =	strace $0x90000046  }
0xb4: {  	s29 =	simm.s32 $0x9;
	_ =	strace $0x80000048  }
0xb5: {  	_ =	swait.ge [sflag:s29], $0x1  }
0xb6: {  	[sflag:s29] =	ssyncadd.s32 $0xFFFFFFFF  }
0xb7: {  	_ =	strace $0x90000048  }
0xb8: {  	_ =	sfence  }
0xb9: {  	s30 =	sld [smem:$0x0];
	_ =	sdelay $0x2  }
0xba: {  	s31 =	sshll.u32 s1, $0xD;
	s1 =	sshrl.u32 s1, $0x2  }
0xbb: {  	s3 =	sand.u32 $0x4000, s31;
	s1 =	sadd.s32 s1, s30  }
0xbc: {  	s0 =	sor.u32 s3, s0;
	s1 =	sshll.u32 s1, $0x11  }
0xbd: {  	s0 =	sor.u32 s1, s0  }
0xbe: {  	s0 =	sadd.s32 $0x8F2B, s0  }
0xbf: {  	[sflag:s0] =	ssyncadd.remote.s32 $0x1  }
0xc0: {  	_ =	sfence.sel $0xFFFF  }
0xc1: {  	[dreg:$0x0] =	wrdreg $0xFFFFFFFF;
	(pc) =	sbr.abs _section_cstart, $3  }
0xc2: {  	[dreg:$0x1] =	wrdreg $0xFFFFFFFF  }
0xc3: {  	_ =	task.clear_ibuf [dreg:s8], $0x2FFFF;
	_ =	strace $0x9FFFFFFF  }
0xc4: {  	(tm) =	ssettm $0x7FFFFFFF  }
0xc5: {  	_ =	shalt  }
tec
execute0_lowered:
.L_overlay_start_1:
0x0: {  	(tag) =	ssettag $0x1  }
0x1: {  	s3 =	rddreg [dreg:$0x0]  }
0x2: {  	s6 =	rddreg [dreg:$0x1]  }
0x3: {  	s5 =	rddreg [dreg:$0x2]  }
0x4: {  	s1 =	srdreg.scid;
	s0 =	rddreg [dreg:$0x3]  }
0x5: {  	s2 =	simm.s32 $0x0;
	s13 =	simm.s32 $0x1400;
	s4 =	sand.u32 $0x1, s1  }
0x6: {  	s14 =	simm.s32 $0x14000;
	s1 =	stileid.u32;
	s7 =	smul.u32 $0x27100, s4  }
0x7: {  	s15 =	simm.s32 $0x7A80;
	s16 =	simm.s32 $0x7800;
	s8 =	smul.u32 $0x2700, s1  }
0x8: {  	s17 =	simm.s32 $0x0;
	[smem:$0x7FF] =	sst s2;
	s12 =	smul.u32 $0x280, s1  }
0x9: {  	s9 =	sshrl.u32 s1, $0x3;
	s10 =	ssub.s32 $0x2, s4;
	s26 =	smul.u32 $0x5000, s1  }
0xa: {  	_ =	strace $0x80000047;
	s28 =	sshll.u32 s1, $0x7;
	s4 =	smul.u32 $0x2800, s4  }
0xb: {  	s9 =	smul.u32 $0x50000, s9;
	s11 =	sshrl.u32 s10, $0x1;
	s29 =	sand.u32 $0x380, s28  }
0xc: {  	s10 =	ssub.s32 s10, s11;
	s7 =	sadd.s32 s8, s7;
	s8 =	sshrl.u32 s26, $0x2  }
0xd: {  	s30 =	sadd.s32 s12, s4;
	s11 =	simm.s32 $0x400;
	s12 =	simm.s32 $0x2  }
0xe: {  	s7 =	sshrl.u32 s7, $0x2;
	s9 =	sshrl.u32 s9, $0x2;
	s31 =	sshrl.u32 s30, $0x3  }
0xf: {  	s3 =	sadd.s32 s3, s7;
	s9 =	sadd.s32 s9, s5;
	s5 =	sadd.s32 s8, s5  }
0x10: {  	s6 =	sadd.s32 s6, s31;
	s7 =	smax.u32 s10, $0x1;
	s8 =	simm.s32 $0x1  }
0x11: {  	v0 =	vimm.f32 $0.0e+00;
	v1 =	vimm.f32 $1.000000000e+00;
	s10 =	simm.s32 $0x80;
	s4 =	sadd.s32 s29, s9;
	s9 =	simm.s32 $0x5000  }
.LBB2_1:
0x12: {  	[tilespmem:s2], [sflag:$0x1] =	stream.linear.gather [hbm4b:s3+s2], $0x5000, $0x38;
	[tilespmem:$0xCA80] =	vst v63  }
0x13: {  	s18 =	simm.s32 $0x5050  }
0x14: {  	[tilespmem:s18+$0xFFFFFFC0] =	vst v0  }
0x15: {  	[tilespmem:s18+$0xFFFFFFD0] =	vst v0  }
0x16: {  	[tilespmem:s18+$0xFFFFFFE0] =	vst v0  }
0x17: {  	[tilespmem:s18+$0xFFFFFFF0] =	vst v0  }
0x18: {  	[tilespmem:s18+$0x0] =	vst v0  }
0x19: {  	[tilespmem:s18+$0x10] =	vst v0  }
0x1a: {  	[tilespmem:s18+$0x20] =	vst v0  }
0x1b: {  	s20 =	sand.u32 $0x3FE0, s2;
	s19 =	simm.s32 $0xA0;
	[tilespmem:s18+$0xFFFFFFB0] =	vst v0  }
.LBB2_2:
0x1c: {  	p0 =	sne.s32 s19, $0x2760;
	[tilespmem:s20+$0x5080] =	vst v0  }
0x1d: {  	[tilespmem:s18+$0x40] =	vst v0;
	s18 =	sadd.s32 $0xA0, s18  }
0x1e: {  	[tilespmem:s18+$0xFFFFFFC0] =	vst v0  }
0x1f: {  	[tilespmem:s18+$0xFFFFFFD0] =	vst v0  }
0x20: {  	[tilespmem:s18+$0xFFFFFFE0] =	vst v0  }
.Ltmp0:
0x21: {  	[tilespmem:s18+$0xFFFFFFF0] =	vst v0;
	(pc) =	sbr.rel @p0 .LBB2_2-.Ltmp0, $4  }
0x22: {  	[tilespmem:s18+$0x0] =	vst v0  }
0x23: {  	[tilespmem:s18+$0x10] =	vst v0  }
0x24: {  	[tilespmem:s18+$0x20] =	vst v0  }
0x25: {  	s20 =	sand.u32 $0x3FE0, s19;
	s19 =	sadd.s32 $0xA0, s19;
	[tilespmem:s18+$0xFFFFFFB0] =	vst v0  }
0x26: {  	[tilespmem:s20+$0x5080] =	vst v0  }
0x27: {  	[tilespmem:s18+$0x40] =	vst v0  }
0x28: {  	_ =	swait.ge [sflag:s8], $0x5000  }
0x29: {  	[sflag:s8] =	ssyncset.done $0x0  }
0x2a: {  	s18 =	simm.s32 $0x0;
	[sflag:s8] =	ssyncadd.s32 $0xFFFFB000  }
.LBB2_4:
0x2b: {  	s19 =	sshra.s32 s18, $0x2  }
0x2c: {  	v2 =	vld [tilespmem:s19+$0x80];
	_ =	sdelay $0x7  }
0x2d: {  	[tilespmem:v2+s9+$0x0] =	vst.idx.msk $0xffff, v1  }
0x2e: {  	v2 =	vld [tilespmem:s19+$0x90];
	_ =	sdelay $0x7  }
0x2f: {  	[tilespmem:v2+s9+$0x0] =	vst.idx.msk $0xffff, v1  }
0x30: {  	v2 =	vld [tilespmem:s19+$0xA0];
	_ =	sdelay $0x7  }
0x31: {  	[tilespmem:v2+s9+$0x0] =	vst.idx.msk $0xffff, v1  }
0x32: {  	v2 =	vld [tilespmem:s19+$0xB0];
	_ =	sdelay $0x7  }
0x33: {  	[tilespmem:v2+s9+$0x0] =	vst.idx.msk $0xffff, v1  }
0x34: {  	v2 =	vld [tilespmem:s19+$0xC0];
	_ =	sdelay $0x7  }
0x35: {  	[tilespmem:v2+s9+$0x0] =	vst.idx.msk $0xffff, v1  }
0x36: {  	v2 =	vld [tilespmem:s19+$0xD0];
	_ =	sdelay $0x7  }
0x37: {  	[tilespmem:v2+s9+$0x0] =	vst.idx.msk $0xffff, v1  }
0x38: {  	v2 =	vld [tilespmem:s19+$0xE0];
	_ =	sdelay $0x7  }
0x39: {  	[tilespmem:v2+s9+$0x0] =	vst.idx.msk $0xffff, v1  }
0x3a: {  	v2 =	vld [tilespmem:s19+$0xF0];
	_ =	sdelay $0x2  }
0x3b: {  	p0 =	sne.s32 s18, $0x13C00  }
.Ltmp1:
0x3c: {  	_ = 	snop;
	(pc) =	sbr.rel @p0 .LBB2_4-.Ltmp1, $2  }
0x3d: {  	_ =	sdelay $0x2  }
0x3e: {  	s18 =	sadd.s32 $0x400, s18;
	[tilespmem:v2+s9+$0x0] =	vst.idx.msk $0xffff, v1  }
0x3f: {  	[spmem:s4] =	stream.strided.scatter [tilespmem:s9], [sflag:$0x2], $0x2800, s11, s10, $0x38;
	[tilespmem:$0xCA80] =	vst v63  }
0x40: {  	_ =	swait.ge [sflag:s12], $0x2800  }
0x41: {  	[sflag:s12] =	ssyncset.done $0x0  }
0x42: {  	[sflag:s12] =	ssyncadd.s32 $0xFFFFD800  }
0x43: {  	[bflag:$0x0] =	sbarrier.arrive $0xFFFF  }
0x44: {  	[tilespmem:s15], [sflag:$0x2] =	stream.strided.gather [spmem:s5], $0x2800, s14, s13, $0x38;
	[tilespmem:$0xCA80] =	vst v63  }
0x45: {  	s18 =	simm.s32 $0x0;
	_ =	swait.ge [sflag:s12], $0x2800  }
0x46: {  	s19 =	sand.u32 $0x70, s18;
	s18 =	sand.u32 $0x1C00, s18;
	[sflag:s12] =	ssyncset.done $0x0  }
0x47: {  	s18 =	sor.u32 s19, s18;
	[sflag:s12] =	ssyncadd.s32 $0xFFFFD800  }
0x48: {  	v2 =	vld [tilespmem:s18+$0x7B00]  }
0x49: {  	v3 =	vld [tilespmem:s18+$0x7A80];
	_ =	sdelay $0x1  }
0x4a: {  	v4 =	vld [tilespmem:s18+$0x7B80];
	_ =	sdelay $0x1  }
0x4b: {  	v5 =	vld [tilespmem:s18+$0x7C00]  }
0x4c: {  	v2 =	vadd.f32 v2, v3  }
0x4d: {  	v3 =	vld [tilespmem:s18+$0x7C80]  }
0x4e: {  	v2 =	vadd.f32 v4, v2  }
0x4f: {  	v56 =	vld [tilespmem:s18+$0x7D00]  }
0x50: {  	v2 =	vadd.f32 v5, v2  }
0x51: {  	v57 =	vld [tilespmem:s18+$0x7D80]  }
0x52: {  	v2 =	vadd.f32 v3, v2  }
0x53: {  	v3 =	vld [tilespmem:s18+$0x7E00]  }
0x54: {  	v2 =	vadd.f32 v56, v2  }
0x55: {  	v58 =	vld [tilespmem:s18+$0x8E80]  }
0x56: {  	v2 =	vadd.f32 v57, v2  }
0x57: {  	v59 =	vld [tilespmem:s18+$0x8F00]  }
0x58: {  	v2 =	vadd.f32 v3, v2  }
0x59: {  	v3 =	vld [tilespmem:s18+$0x8F80]  }
0x5a: {  	v2 =	vadd.f32 v58, v2  }
0x5b: {  	v60 =	vld [tilespmem:s18+$0x9000]  }
0x5c: {  	v2 =	vadd.f32 v59, v2  }
0x5d: {  	v61 =	vld [tilespmem:s18+$0x9080]  }
0x5e: {  	v2 =	vadd.f32 v3, v2  }
0x5f: {  	v3 =	vld [tilespmem:s18+$0x9100]  }
0x60: {  	v2 =	vadd.f32 v60, v2  }
0x61: {  	v62 =	vld [tilespmem:s18+$0x9180]  }
0x62: {  	v2 =	vadd.f32 v61, v2  }
0x63: {  	v63 =	vld [tilespmem:s18+$0x9200]  }
0x64: {  	v2 =	vadd.f32 v3, v2;
	_ =	sdelay $0x1  }
0x65: {  	v2 =	vadd.f32 v62, v2;
	_ =	sdelay $0x1  }
0x66: {  	v2 =	vadd.f32 v63, v2;
	_ =	sdelay $0x1  }
0x67: {  	s31 =	simm.s32 $0x10;
	s20 =	simm.s32 $0x80;
	vm0 =	vgt.f32 v2, $0.0e+00  }
0x68: {  	s21 =	sand.u32 $0x1C00, s20;
	s19 =	sand.u32 $0x70, s31;
	s18 =	simm.s32 $0x7800;
	v2 =	vsel vm0, $0x3F800000, v0  }
0x69: {  	s19 =	sor.u32 s19, s21;
	s21 =	simm.s32 $0x20;
	[tilespmem:s18+$0x0] =	vst v2  }
.LBB2_6:
0x6a: {  	p0 =	sne.s32 s21, $0x270;
	v2 =	vld [tilespmem:s19+$0x7B00]  }
0x6b: {  	v3 =	vld [tilespmem:s19+$0x7A80];
	_ =	sdelay $0x1  }
0x6c: {  	v4 =	vld [tilespmem:s19+$0x7B80];
	_ =	sdelay $0x1  }
0x6d: {  	v5 =	vld [tilespmem:s19+$0x7C00]  }
0x6e: {  	v2 =	vadd.f32 v2, v3  }
0x6f: {  	v3 =	vld [tilespmem:s19+$0x7C80]  }
0x70: {  	v2 =	vadd.f32 v4, v2  }
0x71: {  	v4 =	vld [tilespmem:s19+$0x7D00]  }
0x72: {  	v2 =	vadd.f32 v5, v2  }
0x73: {  	v5 =	vld [tilespmem:s19+$0x7D80]  }
0x74: {  	v2 =	vadd.f32 v3, v2  }
0x75: {  	v3 =	vld [tilespmem:s19+$0x7E00]  }
0x76: {  	v2 =	vadd.f32 v4, v2  }
0x77: {  	v4 =	vld [tilespmem:s19+$0x8E80]  }
0x78: {  	v2 =	vadd.f32 v5, v2  }
0x79: {  	v5 =	vld [tilespmem:s19+$0x8F00]  }
0x7a: {  	v2 =	vadd.f32 v3, v2  }
0x7b: {  	v3 =	vld [tilespmem:s19+$0x8F80]  }
0x7c: {  	v2 =	vadd.f32 v4, v2  }
0x7d: {  	v4 =	vld [tilespmem:s19+$0x9000]  }
0x7e: {  	v2 =	vadd.f32 v5, v2  }
0x7f: {  	v5 =	vld [tilespmem:s19+$0x9080]  }
0x80: {  	v2 =	vadd.f32 v3, v2  }
0x81: {  	v3 =	vld [tilespmem:s19+$0x9100]  }
0x82: {  	v2 =	vadd.f32 v4, v2  }
0x83: {  	v4 =	vld [tilespmem:s19+$0x9180]  }
0x84: {  	v2 =	vadd.f32 v5, v2  }
0x85: {  	v5 =	vld [tilespmem:s19+$0x9200]  }
0x86: {  	v2 =	vadd.f32 v3, v2;
	_ =	sdelay $0x1  }
0x87: {  	v2 =	vadd.f32 v4, v2;
	_ =	sdelay $0x1  }
.Ltmp2:
0x88: {  	v2 =	vadd.f32 v5, v2;
	(pc) =	sbr.rel @p0 .LBB2_6-.Ltmp2, $4  }
0x89: {  	_ = 	snop  }
0x8a: {  	s20 =	sadd.s32 $0x80, s20;
	vm0 =	vgt.f32 v2, $0.0e+00  }
0x8b: {  	s18 =	sadd.s32 $0x10, s18;
	s22 =	sand.u32 $0x1C00, s20;
	s19 =	sand.u32 $0x70, s21;
	v2 =	vsel vm0, $0x3F800000, v0  }
0x8c: {  	s21 =	sadd.s32 $0x10, s21;
	s19 =	sor.u32 s19, s22;
	[tilespmem:s18+$0x0] =	vst v2  }
0x8d: {  	v2 =	vld [tilespmem:s19+$0x7B00]  }
0x8e: {  	v3 =	vld [tilespmem:s19+$0x7A80];
	_ =	sdelay $0x1  }
0x8f: {  	v4 =	vld [tilespmem:s19+$0x7B80];
	_ =	sdelay $0x1  }
0x90: {  	v5 =	vld [tilespmem:s19+$0x7C00]  }
0x91: {  	v2 =	vadd.f32 v2, v3  }
0x92: {  	v3 =	vld [tilespmem:s19+$0x7C80]  }
0x93: {  	v2 =	vadd.f32 v4, v2  }
0x94: {  	v56 =	vld [tilespmem:s19+$0x7D00]  }
0x95: {  	v2 =	vadd.f32 v5, v2  }
0x96: {  	v57 =	vld [tilespmem:s19+$0x7D80]  }
0x97: {  	v2 =	vadd.f32 v3, v2  }
0x98: {  	v3 =	vld [tilespmem:s19+$0x7E00]  }
0x99: {  	v2 =	vadd.f32 v56, v2  }
0x9a: {  	v58 =	vld [tilespmem:s19+$0x8E80]  }
0x9b: {  	v2 =	vadd.f32 v57, v2  }
0x9c: {  	v59 =	vld [tilespmem:s19+$0x8F00]  }
0x9d: {  	v2 =	vadd.f32 v3, v2  }
0x9e: {  	v3 =	vld [tilespmem:s19+$0x8F80]  }
0x9f: {  	v2 =	vadd.f32 v58, v2  }
0xa0: {  	v60 =	vld [tilespmem:s19+$0x9000]  }
0xa1: {  	v2 =	vadd.f32 v59, v2  }
0xa2: {  	v61 =	vld [tilespmem:s19+$0x9080]  }
0xa3: {  	v2 =	vadd.f32 v3, v2  }
0xa4: {  	v3 =	vld [tilespmem:s19+$0x9100]  }
0xa5: {  	v2 =	vadd.f32 v60, v2  }
0xa6: {  	v62 =	vld [tilespmem:s19+$0x9180]  }
0xa7: {  	v2 =	vadd.f32 v61, v2  }
0xa8: {  	v63 =	vld [tilespmem:s19+$0x9200]  }
0xa9: {  	v2 =	vadd.f32 v3, v2;
	_ =	sdelay $0x1  }
0xaa: {  	v2 =	vadd.f32 v62, v2;
	_ =	sdelay $0x1  }
0xab: {  	v2 =	vadd.f32 v63, v2;
	_ =	sdelay $0x1  }
0xac: {  	s17 =	sadd.s32 $0x1, s17;
	vm0 =	vgt.f32 v2, $0.0e+00  }
0xad: {  	s18 =	sadd.s32 $0x10, s18;
	p0 =	sne.s32 s17, s7;
	v2 =	vsel vm0, $0x3F800000, v0  }
.Ltmp3:
0xae: {  	[tilespmem:s18+$0x0] =	vst v2;
	(pc) =	sbr.rel @p0 .LBB2_1-.Ltmp3, $4  }
0xaf: {  	[hbm4b:s6+s2] =	stream.linear.scatter [tilespmem:s16], [sflag:$0x2], $0x280, $0x38;
	[tilespmem:$0xCA80] =	vst v63  }
0xb0: {  	_ =	swait.ge [sflag:s12], $0x280  }
0xb1: {  	[sflag:s12] =	ssyncset.done $0x0  }
0xb2: {  	[sflag:s12] =	ssyncadd.s32 $0xFFFFFD80  }
0xb3: {  	_ =	sfence.sel $0x180000  }
0xb4: {  	[bflag:$0x0] =	sbarrier.arrive $0xFFFF  }
0xb5: {  	p0 =	sne.s32 s1, $0x0;
	_ =	strace $0x90000047  }
0xb6: {  	s0 =	sadd.s32 @!p0 $0x100000, s0;
	[bflag:$0x2] =	sbarrier.arrive $0xFFFF  }
0xb7: {  	[sflag:s0] =	ssyncadd.tile.s32 @!p0 $0x1;
	_ =	shalt  }
.Lfunc_end2:
_tile_overlayer_lowered:
.L_overlay_start_2:
0xb8: {  	(tag) =	ssettag $0x2  }
0xb9: {  	s0 =	rddreg [dreg:$0x0];
	s2 =	stileid.u32  }
0xba: {  	s1 =	rddreg [dreg:$0x1];
	p0 =	sne.s32 s2, $0x0  }
0xbb: {  	s3 =	rddreg [dreg:$0x2];
	[bflag:$0x3] =	sbarrier.arrive $0xFFFF;
	s2 =	simm.s32 @!p0 $0x1C02  }
0xbc: {  	[timem:s3], [sflag:s2] =	dma.local @!p0 [hbm:s0], s1  }
0xbd: {  	s0 =	simm.s32 @!p0 $0x2  }
0xbe: {  	_ =	swait.ge @!p0 [sflag:s0], s1  }
0xbf: {  	s1 =	ssub.s32 @!p0 $0x0, s1;
	[sflag:s0] =	ssyncset.done @!p0 $0x0  }
0xc0: {  	[sflag:s0] =	ssyncadd.s32 @!p0 s1  }
0xc1: {  	[bflag:$0x3] =	sbarrier.arrive $0xFFFF  }
0xc2: {  	_ =	shalt  }

</sc_bundles>
